<compile_context>
chip_gen: v7x
topology: tpu7x:2x2x1
jax: 0.10.2.dev20260603
libtpu: 0.0.44.dev20260713+nightly
codegen_flags: <defaults>
</compile_context>

<pallas_src>
import jax
import jax.numpy as jnp
from jax.experimental import pallas as pl

B = 1024
NUM_CLASSES = 100000
D = 512

SCALE = 32.0
L_A = 10.0
U_A = 110.0
LAMDA = 20.0

_FLAT_ROWS = 6400
_FLAT_COLS = 16000
_BLK_ROWS = 128


def _scale_kernel(x_ref, o_ref):
    o_ref[...] = jnp.clip(x_ref[...], -1.0, 1.0) * SCALE


def _loss_g_kernel(f_ref, o_ref):
    f = f_ref[...]
    sq = jnp.sum(f * f, axis=1, keepdims=True)
    x_norm = jnp.clip(jnp.sqrt(sq), L_A, U_A)
    o_ref[...] = LAMDA * ((1.0 / (U_A * U_A)) * x_norm + 1.0 / x_norm)


def kernel(cos_theta, feats, labels):
    flat = cos_theta.reshape(_FLAT_ROWS, _FLAT_COLS)
    out = pl.pallas_call(
        _scale_kernel,
        out_shape=jax.ShapeDtypeStruct((_FLAT_ROWS, _FLAT_COLS), jnp.float32),
        grid=(_FLAT_ROWS // _BLK_ROWS,),
        in_specs=[pl.BlockSpec((_BLK_ROWS, _FLAT_COLS), lambda i: (i, 0))],
        out_specs=pl.BlockSpec((_BLK_ROWS, _FLAT_COLS), lambda i: (i, 0)),
    )(flat)
    loss_g = pl.pallas_call(
        _loss_g_kernel,
        out_shape=jax.ShapeDtypeStruct((B, 1), jnp.float32),
        in_specs=[pl.BlockSpec((B, D), lambda: (0, 0))],
        out_specs=pl.BlockSpec((B, 1), lambda: (0, 0)),
    )(feats)
    return (out.reshape(B, NUM_CLASSES), loss_g)

# --- scband reference (transcript-rebuilt; emitter-appended) ---
"""Pipeline reference for scband-mag-face-42520176231045 (READ-ONLY COPY).

The authoritative reference and input builder live on the scoring server;
editing this copy changes nothing except your own understanding.
"""

import math
import jax, jax.numpy as jnp
import numpy as np

B = 1024
NUM_CLASSES = 100000
D = 512

MARGIN_AM = 0.0
SCALE = 32.0
L_A = 10.0
U_A = 110.0
L_MARGIN = 0.45
U_MARGIN = 0.8
LAMDA = 20.0


def setup_inputs(seed: int = 0) -> dict:
    key = jax.random.key(seed)
    k1, k2, k3 = jax.random.split(key, 3)
    cos_theta = jax.random.normal(k1, (B, NUM_CLASSES), dtype=jnp.float32)
    feats = jax.random.normal(k2, (B, D), dtype=jnp.float32)
    labels = jax.random.randint(k3, (B,), 0, NUM_CLASSES, dtype=jnp.int32)
    return {"cos_theta": cos_theta, "feats": feats, "labels": labels}


def reference(cos_theta, feats, labels):
    x_norm = jnp.clip(jnp.linalg.norm(feats, axis=1, keepdims=True), L_A, U_A)
    ada_margin = (U_MARGIN - L_MARGIN) / (U_A - L_A) * (x_norm - L_A) + L_MARGIN
    cos_m = jnp.cos(ada_margin)
    sin_m = jnp.sin(ada_margin)
    loss_g = (1.0 / (U_A ** 2)) * x_norm + 1.0 / x_norm
    ct = jnp.clip(cos_theta, -1.0, 1.0)
    sin_theta = jnp.sqrt(1.0 - ct ** 2)
    cos_theta_m = ct * cos_m - sin_theta * sin_m
    min_cos_theta = jnp.cos(math.pi - ada_margin)
    cos_theta_m = jnp.where(ct > min_cos_theta, cos_theta_m, ct - MARGIN_AM)
    # Faithful to the torch code: `output[valid_label_index][index] = ...` writes into a
    # TEMPORARY produced by advanced indexing, so `output` is never actually modified.
    # Hence output == clamp(cos_theta, -1, 1) * scale; cos_theta_m is dead code.
    output = ct * SCALE
    return (output, LAMDA * loss_g)

if __name__ == "__main__":
    import jax
    _d = setup_inputs()
    print(jax.jit(kernel)(*tuple(_d.values())))

</pallas_src>

<mosaic_0001>
module attributes {stable_mosaic.version = 14 : i64} {
  func.func @_scale_kernel(%arg0: i32, %arg1: memref<128x16000xf32, #tpu.memory_space<vmem>>, %arg2: memref<128x16000xf32, #tpu.memory_space<vmem>>) attributes {dimension_semantics = [#tpu.dimension_semantics<arbitrary>], iteration_bounds = array<i64: 50>, scalar_prefetch = 0 : i64, scratch_operands = 0 : i64, tpu.core_type = #tpu.core_type<tc>, window_params = [{transform_indices = @transform_0, window_bounds = array<i64: 128, 16000>}, {transform_indices = @transform_1, window_bounds = array<i64: 128, 16000>}]} {
    %get3A = arith.constant 0 : index
    %get3A_0 = arith.constant 0 : index
    %get3A_1 = vector.load %arg1[%get3A, %get3A_0] : memref<128x16000xf32, #tpu.memory_space<vmem>>, vector<128x16000xf32>
    %jit3A = arith.constant -1.000000e+00 : f32
    %jit3A_2 = arith.constant 1.000000e+00 : f32
    %max3A = vector.broadcast %jit3A : f32 to vector<128x16000xf32>
    %max3A_3 = arith.maximumf %max3A, %get3A_1 : vector<128x16000xf32>
    %min3A = vector.broadcast %jit3A_2 : f32 to vector<128x16000xf32>
    %min3A_4 = arith.minimumf %min3A, %max3A_3 : vector<128x16000xf32>
    %mul3A = arith.constant 3.200000e+01 : f32
    %mul3A_5 = vector.broadcast %mul3A : f32 to vector<128x16000xf32>
    %mul3A_6 = arith.mulf %min3A_4, %mul3A_5 : vector<128x16000xf32>
    %swap3A = arith.constant 0 : index
    %swap3A_7 = arith.constant 0 : index
    %swap3A_8 = vector.load %arg2[%swap3A, %swap3A_7] : memref<128x16000xf32, #tpu.memory_space<vmem>>, vector<128x16000xf32>
    tpu.vector_store %arg2[%swap3A, %swap3A_7], %mul3A_6 {strides = array<i32>} : memref<128x16000xf32, #tpu.memory_space<vmem>>, vector<128x16000xf32>,
    return
  }
  func.func @transform_0(%arg0: i32) -> (i32, i32) {
    %c0_i32 = arith.constant 0 : i32
    %c0_i32_0 = arith.constant 0 : i32
    return %arg0, %c0_i32 : i32, i32
  }
  func.func @transform_1(%arg0: i32) -> (i32, i32) {
    %c0_i32 = arith.constant 0 : i32
    %c0_i32_0 = arith.constant 0 : i32
    return %arg0, %c0_i32 : i32, i32
  }
}

module attributes {stable_mosaic.version = 14 : i64} {
  func.func @_loss_g_kernel(%arg0: memref<1024x512xf32, #tpu.memory_space<vmem>>, %arg1: memref<1024x1xf32, #tpu.memory_space<vmem>>) attributes {dimension_semantics = [], scalar_prefetch = 0 : i64, scratch_operands = 0 : i64, tpu.core_type = #tpu.core_type<tc>} {
    %get3A = arith.constant 0 : index
    %get3A_0 = arith.constant 0 : index
    %get3A_1 = vector.load %arg0[%get3A, %get3A_0] : memref<1024x512xf32, #tpu.memory_space<vmem>>, vector<1024x512xf32>
    %mul3A = arith.mulf %get3A_1, %get3A_1 : vector<1024x512xf32>
    %reduce_sum3A = arith.constant dense<0.000000e+00> : vector<1024xf32>
    %reduce_sum3A_2 = vector.multi_reduction <add>, %mul3A, %reduce_sum3A [1] : vector<1024x512xf32> to vector<1024xf32>
    %broadcast_in_dim3A = vector.shape_cast %reduce_sum3A_2 : vector<1024xf32> to vector<1024x1xf32>
    %sqrt3A = math.sqrt %broadcast_in_dim3A : vector<1024x1xf32>
    %jit3A = arith.constant 1.000000e+01 : f32
    %jit3A_3 = arith.constant 1.100000e+02 : f32
    %max3A = vector.broadcast %jit3A : f32 to vector<1024x1xf32>
    %max3A_4 = arith.maximumf %max3A, %sqrt3A : vector<1024x1xf32>
    %min3A = vector.broadcast %jit3A_3 : f32 to vector<1024x1xf32>
    %min3A_5 = arith.minimumf %min3A, %max3A_4 : vector<1024x1xf32>
    %mul3A_6 = arith.constant 8.26446266E-5 : f32
    %mul3A_7 = vector.broadcast %mul3A_6 : f32 to vector<1024x1xf32>
    %mul3A_8 = arith.mulf %mul3A_7, %min3A_5 : vector<1024x1xf32>
    %div3A = arith.constant 1.000000e+00 : f32
    %div3A_9 = vector.broadcast %div3A : f32 to vector<1024x1xf32>
    %div3A_10 = arith.divf %div3A_9, %min3A_5 : vector<1024x1xf32>
    %add3A = arith.addf %mul3A_8, %div3A_10 : vector<1024x1xf32>
    %mul3A_11 = arith.constant 2.000000e+01 : f32
    %mul3A_12 = vector.broadcast %mul3A_11 : f32 to vector<1024x1xf32>
    %mul3A_13 = arith.mulf %mul3A_12, %add3A : vector<1024x1xf32>
    %swap3A = arith.constant 0 : index
    %swap3A_14 = arith.constant 0 : index
    %swap3A_15 = vector.load %arg1[%swap3A, %swap3A_14] : memref<1024x1xf32, #tpu.memory_space<vmem>>, vector<1024x1xf32>
    tpu.vector_store %arg1[%swap3A, %swap3A_14], %mul3A_13 {strides = array<i32>} : memref<1024x1xf32, #tpu.memory_space<vmem>>, vector<1024x1xf32>,
    return
  }
}

</mosaic_0001>

<sc_bundles>
// kernel: sparse-core-data-format-call.cloned.1.call-start
scs
called_computation_lowered:
.L_overlay_start_0:
0x0: {  	s2 =	sld [smem:$0x3FD9]  }
0x1: {  	s3 =	sld [smem:$0x3FFE];
	_ =	sdelay $0x1  }
0x2: {  	s1 =	srdreg.scid  }
0x3: {  	s0 =	sand.u32 $0x1, s1  }
0x4: {  	s15 =	sshll.u32 s0, $0xA;
	s2 =	sadd.s32 s3, s2  }
0x5: {  	s2 =	sadd.s32 s2, s15  }
0x6: {  	[smem:$0x3FC6] =	sst s2  }
0x7: {  	_ = 	snop  }
0x8: {  	s2 =	sld [smem:$0x3FD0];
	_ =	sdelay $0x2  }
0x9: {  	s16 =	simm.s32 $0xA;
	s4 =	simm.s32 $0x10  }
0xa: {  	[smem:s4], [sflag:s16] =	dma.local [hbm:s2], $0x1  }
0xb: {  	_ =	swait.eq [sflag:s16], $0x1  }
0xc: {  	[sflag:s16] =	ssyncset.done $0x0  }
0xd: {  	[sflag:s16] =	ssyncadd.s32 $0xFFFFFFFF  }
0xe: {  	s17 =	sld [smem:$0x10];
	(tm) =	ssettm $0x1  }
0xf: {  	s18 =	sld [smem:$0x3FFB];
	_ =	sdelay $0x3  }
0x10: {  	_ =	strace s18  }
0x11: {  	s3 =	sld [smem:$0x3FFC];
	_ =	sdelay $0x3  }
0x12: {  	_ =	strace s3  }
0x13: {  	s3 =	sld [smem:$0x3FFD];
	_ =	sdelay $0x3  }
0x14: {  	_ =	strace s3  }
0x15: {  	_ =	strace $0x8FFFFFFF  }
0x16: {  	s19 =	sld [smem:$0x3FDB];
	_ =	sdelay $0x1  }
0x17: {  	s20 =	simm.s32 $_scs_section_size  }
0x18: {  	s5 =	simm.s32 $_size__tile_overlayer_lowered;
	s6 =	simm.s32 $_tile_overlayer_lowered  }
0x19: {  	s23 =	simm.s32 $0x1BFF;
	s22 =	sshll.u32 s6, $0x1;
	s3 =	sadd.s32 s20, s19  }
0x1a: {  	s7 =	simm.s32 $0x0;
	s21 =	sshll.u32 s5, $0x1;
	s5 =	sadd.s32 s22, s3  }
0x1b: {  	[timem:s7], [sflag:s23] =	dma.local [hbm:s5], s21  }
0x1c: {  	_ =	swait.ge [sflag:s23], s21  }
0x1d: {  	s4 =	ssub.s32 $0x0, s21;
	[sflag:s23] =	ssyncset.done $0x0  }
0x1e: {  	[sflag:s23] =	ssyncadd.s32 s4;
	_ =	sdelay $0x1  }
0x1f: {  	s24 =	simm.s32 $0x1B8B  }
0x20: {  	_ =	swait.ge [sflag:s24], $0x1  }
0x21: {  	[sflag:s24] =	ssyncset.done $0x0  }
0x22: {  	s26 =	simm.s32 $0x1B8E;
	s25 =	sld [smem:$0x3FFE];
	[sflag:s24] =	ssyncadd.s32 $0xFFFFFFFF  }
0x23: {  	s27 =	simm.s32 $execute0_lowered;
	[smem:$0x3FD2] =	sst s26  }
0x24: {  	s5 =	sshll.u32 s27, $0x1;
	_ =	strace $0x80000046;
	[dreg:$0x1] =	wrdreg $0xFFFFFFFF  }
0x25: {  	s28 =	simm.s32 $_size_execute0_lowered;
	s3 =	sadd.s32 s3, s5;
	[dreg:$0x0] =	wrdreg $0x0  }
0x26: {  	s5 =	sshll.u32 s28, $0x1;
	[dreg:$0x2] =	wrdreg s3  }
0x27: {  	[dreg:$0x3] =	wrdreg s5  }
0x28: {  	[dreg:$0x4] =	wrdreg $0xC0  }
0x29: {  	_ =	task [dreg:s7], $0x5FFFF  }
0x2a: {  	[dreg:$0x1] =	wrdreg $0xFFFFFFFF  }
0x2b: {  	[dreg:$0x0] =	wrdreg $0x60  }
0x2c: {  	[dreg:$0x2] =	wrdreg s25  }
0x2d: {  	[dreg:$0x3] =	wrdreg s17  }
0x2e: {  	[dreg:$0x4] =	wrdreg $0x9  }
0x2f: {  	_ =	task.clear_ibuf [dreg:s7], $0x5FFFF;
	_ =	strace $0x90000046  }
0x30: {  	s29 =	simm.s32 $0x9;
	_ =	strace $0x80000048  }
0x31: {  	_ =	swait.ge [sflag:s29], $0x1  }
0x32: {  	[sflag:s29] =	ssyncadd.s32 $0xFFFFFFFF  }
0x33: {  	_ =	strace $0x90000048  }
0x34: {  	_ =	sfence  }
0x35: {  	s30 =	sld [smem:$0x0];
	_ =	sdelay $0x2  }
0x36: {  	s31 =	sshll.u32 s1, $0xD;
	s1 =	sshrl.u32 s1, $0x2  }
0x37: {  	s3 =	sand.u32 $0x4000, s31;
	s1 =	sadd.s32 s1, s30  }
0x38: {  	s0 =	sor.u32 s3, s0;
	s1 =	sshll.u32 s1, $0x11  }
0x39: {  	s0 =	sor.u32 s1, s0  }
0x3a: {  	s0 =	sadd.s32 $0x8F2B, s0  }
0x3b: {  	[sflag:s0] =	ssyncadd.remote.s32 $0x1  }
0x3c: {  	_ =	sfence.sel $0xFFFF  }
0x3d: {  	[dreg:$0x0] =	wrdreg $0xFFFFFFFF;
	(pc) =	sbr.abs _section_cstart, $3  }
0x3e: {  	[dreg:$0x1] =	wrdreg $0xFFFFFFFF  }
0x3f: {  	_ =	task.clear_ibuf [dreg:s7], $0x2FFFF;
	_ =	strace $0x9FFFFFFF  }
0x40: {  	(tm) =	ssettm $0x7FFFFFFF  }
0x41: {  	_ =	shalt  }
tec
execute0_lowered:
.L_overlay_start_1:
0x0: {  	(tag) =	ssettag $0x1  }
0x1: {  	s0 =	stileid.u32  }
0x2: {  	s2 =	srdreg.scid;
	s7 =	rddreg [dreg:$0x0]  }
0x3: {  	s6 =	simm.s32 $0x1;
	s31 =	simm.s32 $0x2;
	s16 =	simm.s32 $0x0  }
0x4: {  	s9 =	simm.s32 $0x2000;
	s15 =	simm.s32 $0x0;
	s10 =	simm.s32 $0x0  }
0x5: {  	s11 =	simm.s32 $0x0;
	s14 =	simm.s32 $0x0;
	s1 =	sshll.u32 s0, $0x7  }
0x6: {  	s3 =	sshll.u32 s0, $0x4;
	s2 =	sshll.u32 s2, $0x8;
	s1 =	sand.u32 $0x380, s1  }
0x7: {  	s7 =	sadd.s32 $0xC35600, s7;
	s2 =	sor.u32 s3, s2;
	s5 =	ssub.s32 $0x400, s1  }
0x8: {  	s3 =	rddreg [dreg:$0x1];
	s4 =	sand.u32 $0x180, s2;
	s29 =	sand.u32 $0x380, s5  }
0x9: {  	s30 =	ssub.s32 $0x18680, s4;
	s5 =	sshrl.u32 s5, $0xA;
	p0 =	sne.s32 s29, $0x0  }
.Ltmp0:
0xa: {  	s8 =	sshrl.u32 s30, $0x9;
	s6 =	simm.s32 @!p0 $0x0;
	(pc) =	sbr.rel .LBB1_1-.Ltmp0, $4  }
0xb: {  	s2 =	rddreg [dreg:$0x2];
	s8 =	sadd.s32 $0x1, s8;
	s6 =	sadd.s32 s6, s5  }
0xc: {  	_ =	strace $0x80000047;
	s5 =	simm.s32 $0x1;
	s6 =	smul.u32 s6, s8  }
0xd: {  	s13 =	smov.u32 s1;
	s12 =	smov.u32 s4;
	[sflag:s5] =	ssyncpa.u1 $0x0  }
0xe: {  	p0 =	por $0x0, $0x0;
	[sflag:s31] =	ssyncpa.u1 $0x0;
	s8 =	sadd.s32 $0x1, s6  }
.LBB1_4:
0xf: {  	s21 =	sshra.s32 s21, $0x2;
	s27 =	sshll.u32 s10, $0xA;
	s22 =	sshll.u32 s11, $0x3  }
0x10: {  	s23 =	sshll.u32 s10, $0x7;
	s24 =	sand.u32 $0x78, s11;
	p1 =	sgt.s32 s10, $0x18620  }
0x11: {  	s25 =	sshra.s32 s10, $0x1F;
	s26 =	sshra.s32 s11, $0x1F;
	s20 =	sadd.s32 s21, s20  }
0x12: {  	v5 =	vld [tilespmem:s18+$0xFFFFFFD0];
	[tilespmem:s19+$0x2040 ss:$0x81] =	vst.msk $0xffff, v4;
	s21 =	sand.u32 $0xFFFFE000, s27;
	s22 =	sand.u32 $0xFFFFFC00, s22;
	s28 =	sand.u32 $0x380, s23  }
0x13: {  	v58 =	vld [tilespmem:s18+$0xFFFFFFE0];
	[tilespmem:s19+$0x2850 ss:$0x81] =	vst.msk $0xffff, v3;
	s23 =	smov.u32 s10;
	s30 =	sand.u32 s25, s10;
	s25 =	smov.u32 s11  }
0x14: {  	v59 =	vld [tilespmem:s18+$0xFFFFFFF0];
	[tilespmem:s19+$0x3060 ss:$0x81] =	vst.msk $0xffff, v2;
	s31 =	sand.u32 s26, s11;
	s21 =	sadd.s32 s22, s21;
	s22 =	sor.u32 s24, s28  }
0x15: {  	v60 =	vld [tilespmem:s18+$0x0];
	[tilespmem:s19+$0x0 ss:$0x81] =	vst.msk $0xffff, v1;
	s23 =	simm.s32 @!p1 $0x18620;
	p1 =	sgt.s32 s11, $0x380;
	s21 =	sshrl.u32 s21, $0xA  }
0x16: {  	v61 =	vld [tilespmem:s18+$0x10];
	[tilespmem:s20+$0x3870 ss:$0x81] =	vst.msk $0xffff, v0;
	s19 =	ssub.s32 s23, s30;
	s25 =	simm.s32 @!p1 $0x380;
	s29 =	smulhi.u32 $0x53E2D7, s21  }
0x17: {  	v62 =	vld [tilespmem:s18+$0x20];
	s23 =	ssub.s32 s25, s31;
	s26 =	sadd.s32 $0xFFFE79E0, s19;
	s19 =	ssub.s32 $0x186A0, s19;
	[tilespmem:s20+$0x810 ss:$0x81] =	vst.msk $0xffff, v5  }
0x18: {  	v63 =	vld [tilespmem:s18+$0xFFFFFFC0];
	[tilespmem:s20+$0x1020 ss:$0x81] =	vst.msk $0xffff, v58;
	p1 =	sgt.s32 s26, $0x7F;
	s28 =	sadd.s32 $0xFFFFFC80, s23;
	s24 =	sshrl.u32 s29, $0x7  }
0x19: {  	[tilespmem:s20+$0x1830 ss:$0x81] =	vst.msk $0xffff, v59;
	s23 =	ssub.s32 $0x400, s23;
	p2 =	sgt.s32 s28, $0x7F;
	s27 =	smul.u32 $0x186A0, s24  }
0x1a: {  	s30 =	sand.u32 $0x7, s11;
	[tilespmem:s20+$0x2040 ss:$0x81] =	vst.msk $0xffff, v60;
	s19 =	simm.s32 @p1 $0x0;
	s23 =	simm.s32 @p2 $0x0  }
0x1b: {  	[tilespmem:s20+$0x2850 ss:$0x81] =	vst.msk $0xffff, v61;
	s29 =	sshrl.u32 s22, $0x3;
	s19 =	smul.u32 s23, s19;
	s18 =	ssub.s32 s21, s27  }
0x1c: {  	[tilespmem:s20+$0x3060 ss:$0x81] =	vst.msk $0xffff, v62;
	s22 =	sshll.u32 s30, $0x12;
	s21 =	sadd.s32 s3, s29;
	s18 =	sshll.u32 s18, $0x7  }
0x1d: {  	[tilespmem:s20+$0x0 ss:$0x81] =	vst.msk $0xffff, v63;
	s31 =	sor.u32 $0x400, s22;
	s19 =	sand.u32 $0x3FFFFFFF, s19;
	s18 =	sadd.s32 s18, s21  }
0x1e: {  	[hbm4b:s18+s31] =	stream.strided.scatter [tilespmem:s17], [sflag:$0x2], s19, s9, s31, $0x20;
	[tilespmem:$0x10100] =	vst v63  }
.LBB1_5:
0x1f: {  	p1 =	slt.u32 s14, $0x2  }
0x20: {  	s18 =	smov.u32 s16;
	p2 =	sgt.s32 @!p1 s16, $0x18620;
	s17 =	sshra.s32 @!p1 s16, $0x1F  }
0x21: {  	p3 =	sgt.s32 @!p1 s15, $0x380;
	s19 =	sshra.s32 @!p1 s15, $0x1F;
	p2 =	por !p2, p1  }
0x22: {  	s16 =	sand.u32 @!p1 s17, s16;
	p3 =	por !p3, p1;
	s17 =	smov.u32 s15  }
0x23: {  	s15 =	sand.u32 @!p1 s19, s15;
	s18 =	simm.s32 @p2 $0x18620;
	s17 =	simm.s32 @p3 $0x380  }
0x24: {  	s16 =	ssub.s32 @!p1 s18, s16;
	s15 =	ssub.s32 @!p1 s17, s15  }
0x25: {  	s19 =	smov.u32 s13;
	s17 =	sadd.s32 @!p1 $0xFFFE79E0, s16;
	s18 =	sadd.s32 @!p1 $0xFFFFFC80, s15  }
0x26: {  	s16 =	ssub.s32 @!p1 $0x186A0, s16;
	p2 =	sgt.s32 @!p1 s17, $0x7F;
	p3 =	sgt.s32 @!p1 s18, $0x7F  }
0x27: {  	s15 =	ssub.s32 @!p1 $0x400, s15;
	p2 =	por !p2, p1;
	p3 =	por !p3, p1  }
0x28: {  	s17 =	sadd.s32 $0x200, s12;
	s16 =	simm.s32 @!p2 $0x0;
	s15 =	simm.s32 @!p3 $0x0  }
0x29: {  	p2 =	sgt.s32 s17, $0x1869F;
	s15 =	smul.u32 @!p1 s15, s16;
	s16 =	sadd.s32 $0x400, s13  }
0x2a: {  	s19 =	smov.u32 @p2 s16  }
0x2b: {  	s17 =	smov.u32 @p2 s4;
	p2 =	sgt.s32 s19, $0x3FF  }
0x2c: {  	s19 =	smov.u32 @p2 s1;
	p2 =	sne.s32 s14, s8  }
.Ltmp1:
0x2d: {  	p0 =	por !p0, !p0;
	s18 =	simm.s32 @!p1 $0x2;
	(pc) =	sbr.rel @!p2 .LBB1_6-.Ltmp1, $4  }
0x2e: {  	s16 =	smov.u32 s10;
	s10 =	smov.u32 s12;
	s15 =	sand.u32 @!p1 $0x3FFFFFFF, s15  }
0x2f: {  	s12 =	smov.u32 s17;
	_ =	swait.ge @!p1 [sflag:s18], s15;
	s20 =	ssub.s32 @!p1 $0x0, s15  }
0x30: {  	s15 =	smov.u32 s11;
	s14 =	sadd.s32 $0x1, s14;
	[sflag:s18] =	ssyncset.done @!p1 $0x0  }
0x31: {  	s11 =	smov.u32 s13;
	s13 =	smov.u32 s19;
	[sflag:s18] =	ssyncadd.s32 @!p1 s20  }
.LBB1_1:
0x32: {  	p1 =	sge.u32 s14, s6  }
0x33: {  	s17 =	sshrl.u32 @!p1 s13, $0x3  }
0x34: {  	s18 =	sshll.u32 @!p1 s12, $0x3;
	s17 =	smul.u32 @!p1 $0xC3800, s17  }
0x35: {  	s19 =	sshll.u32 @!p1 s13, $0x7;
	s18 =	sand.u32 @!p1 $0xFFFFFC00, s18  }
0x36: {  	s17 =	sadd.s32 @!p1 s17, s18;
	s18 =	sand.u32 @!p1 $0x380, s19  }
0x37: {  	s19 =	sand.u32 @!p1 $0x7F, s12;
	s17 =	sor.u32 @!p1 s18, s17  }
0x38: {  	s18 =	sor.u32 @!p1 s19, s17  }
0x39: {  	s19 =	smulhi.u32 @!p1 $0xA79C7B17, s18;
	_ =	sdelay $0x1  }
0x3a: {  	s17 =	smulhi.u32 @!p1 $0xA79C7B17, s17;
	s19 =	sshrl.u32 @!p1 s19, $0x10  }
0x3b: {  	s19 =	smul.u32 @!p1 $0x18700, s19  }
0x3c: {  	s31 =	sadd.s32 $0xFFFFFFFF, s14;
	s20 =	sxor.u32 @!p1 $0xFFFFFFFF, s14;
	s17 =	sshrl.u32 @!p1 s17, $0x10  }
0x3d: {  	s20 =	sshll.u32 @!p1 s20, $0xE;
	s17 =	sand.u32 @!p1 $0x3FF, s17;
	s18 =	ssub.s32 @!p1 s18, s19  }
0x3e: {  	s17 =	smul.u32 @!p1 $0x30E0, s17;
	s19 =	sshrl.u32 @!p1 s18, $0x3;
	s18 =	sand.u32 @!p1 $0x7, s18  }
0x3f: {  	s20 =	sand.u32 @!p1 $0x4000, s20;
	s19 =	sadd.s32 @!p1 s7, s19;
	s18 =	sshll.u32 @!p1 s18, $0x12  }
0x40: {  	s17 =	sadd.s32 @!p1 s17, s19;
	s18 =	sor.u32 @!p1 $0x400, s18;
	s19 =	simm.s32 @!p1 $0xC3800  }
0x41: {  	[tilespmem:s20], [sflag:$0x1] =	stream.strided.gather @!p1 [hbm4b:s17+s18], $0x4000, s19, s18, $0x38;
	[tilespmem:$0x10100] =	vst v63  }
0x42: {  	p1 =	sge.u32 s31, s6  }
.Ltmp2:
0x43: {  	_ = 	snop;
	(pc) =	sbr.rel @p1 .LBB1_5-.Ltmp2, $1  }
0x44: {  	_ =	sdelay $0x3  }
0x45: {  	s17 =	simm.s32 $0x1  }
0x46: {  	_ =	swait.ge [sflag:s5], $0x4000;
	s17 =	simm.s32 @!p0 $0x0  }
0x47: {  	[sflag:s5] =	ssyncset.done $0x0;
	s18 =	sshll.u32 s17, $0xE  }
0x48: {  	[sflag:s5] =	ssyncadd.s32 $0xFFFFC000;
	s18 =	sor.u32 $0x40, s18  }
0x49: {  	s17 =	smul.u32 $0x10200, s17;
	v0 =	vld [tilespmem:s18+$0x30]  }
0x4a: {  	v1 =	vld [tilespmem:s18+$0xFFFFFFD0]  }
0x4b: {  	s17 =	sshrl.u32 s17, $0x2;
	v5 =	vld [tilespmem:s18+$0xFFFFFFE0]  }
0x4c: {  	v6 =	vld [tilespmem:s18+$0xFFFFFFF0];
	s20 =	sor.u32 $0x8000, s17  }
0x4d: {  	s31 =	sand.u32 $0x1, s14;
	v4 =	vld [tilespmem:s18+$0x0];
	s19 =	sadd.s32 $0x0, s20  }
0x4e: {  	v3 =	vld [tilespmem:s18+$0x10];
	s17 =	smul.u32 $0x10200, s31;
	[tilespmem:s19+$0x3870 ss:$0x81] =	vst.msk $0xffff, v0  }
0x4f: {  	v2 =	vld [tilespmem:s18+$0x20];
	[tilespmem:s19+$0x810 ss:$0x81] =	vst.msk $0xffff, v1  }
0x50: {  	s17 =	sshrl.u32 s17, $0x2;
	v1 =	vld [tilespmem:s18+$0xFFFFFFC0];
	[tilespmem:s19+$0x1020 ss:$0x81] =	vst.msk $0xffff, v5;
	s18 =	sadd.s32 $0x80, s18  }
0x51: {  	s21 =	simm.s32 $0x4;
	s22 =	simm.s32 $0x8;
	s17 =	sor.u32 $0x8000, s17;
	[tilespmem:s19+$0x1830 ss:$0x81] =	vst.msk $0xffff, v6;
	v0 =	vld [tilespmem:s18+$0x30]  }
.LBB1_3:
0x52: {  	p1 =	sne.s32 s22, $0x1FC;
	v5 =	vld [tilespmem:s18+$0xFFFFFFD0];
	[tilespmem:s19+$0x2040 ss:$0x81] =	vst.msk $0xffff, v4  }
0x53: {  	v6 =	vld [tilespmem:s18+$0xFFFFFFE0];
	[tilespmem:s19+$0x2850 ss:$0x81] =	vst.msk $0xffff, v3  }
0x54: {  	s23 =	sshra.s32 s21, $0x2;
	s21 =	smov.u32 s22;
	v7 =	vld [tilespmem:s18+$0xFFFFFFF0];
	[tilespmem:s19+$0x3060 ss:$0x81] =	vst.msk $0xffff, v2  }
.Ltmp3:
0x55: {  	v4 =	vld [tilespmem:s18+$0x0];
	[tilespmem:s19+$0x0 ss:$0x81] =	vst.msk $0xffff, v1;
	s19 =	sadd.s32 s23, s20;
	(pc) =	sbr.rel @p1 .LBB1_3-.Ltmp3, $4  }
0x56: {  	v3 =	vld [tilespmem:s18+$0x10];
	[tilespmem:s19+$0x3870 ss:$0x81] =	vst.msk $0xffff, v0  }
0x57: {  	[tilespmem:s19+$0x810 ss:$0x81] =	vst.msk $0xffff, v5;
	v2 =	vld [tilespmem:s18+$0x20]  }
0x58: {  	v1 =	vld [tilespmem:s18+$0xFFFFFFC0];
	[tilespmem:s19+$0x1020 ss:$0x81] =	vst.msk $0xffff, v6;
	s18 =	sadd.s32 $0x80, s18  }
0x59: {  	s22 =	sadd.s32 $0x4, s22;
	v0 =	vld [tilespmem:s18+$0x30];
	[tilespmem:s19+$0x1830 ss:$0x81] =	vst.msk $0xffff, v7  }
.Ltmp4:
0x5a: {  	_ = 	snop;
	(pc) =	sbr.rel .LBB1_4-.Ltmp4, $1  }
0x5b: {  	_ =	sdelay $0x3  }
.LBB1_6:
0x5c: {  	_ =	sfence.sel $0x180000  }
0x5d: {  	s1 =	simm.s32 $0x1;
	[bflag:$0x0] =	sbarrier.arrive $0xFFFF  }
0x5e: {  	s31 =	simm.s32 $0x2;
	[sflag:s1] =	ssyncpa.u1 $0x1  }
0x5f: {  	[sflag:s31] =	ssyncpa.u1 $0x1  }
0x60: {  	p0 =	sne.s32 s0, $0x0;
	_ =	strace $0x90000047  }
0x61: {  	s0 =	sadd.s32 @!p0 $0x100000, s2;
	[bflag:$0x2] =	sbarrier.arrive $0xFFFF  }
0x62: {  	[sflag:s0] =	ssyncadd.tile.s32 @!p0 $0x1;
	_ =	shalt  }
.Lfunc_end1:
_tile_overlayer_lowered:
.L_overlay_start_2:
0x63: {  	(tag) =	ssettag $0x2  }
0x64: {  	s0 =	rddreg [dreg:$0x0];
	s2 =	stileid.u32  }
0x65: {  	s1 =	rddreg [dreg:$0x1];
	p0 =	sne.s32 s2, $0x0  }
0x66: {  	s3 =	rddreg [dreg:$0x2];
	[bflag:$0x3] =	sbarrier.arrive $0xFFFF;
	s2 =	simm.s32 @!p0 $0x1C01  }
0x67: {  	[timem:s3], [sflag:s2] =	dma.local @!p0 [hbm:s0], s1  }
0x68: {  	s0 =	simm.s32 @!p0 $0x1  }
0x69: {  	_ =	swait.ge @!p0 [sflag:s0], s1  }
0x6a: {  	s1 =	ssub.s32 @!p0 $0x0, s1;
	[sflag:s0] =	ssyncset.done @!p0 $0x0  }
0x6b: {  	[sflag:s0] =	ssyncadd.s32 @!p0 s1  }
0x6c: {  	[bflag:$0x3] =	sbarrier.arrive $0xFFFF  }
0x6d: {  	_ =	shalt  }

</sc_bundles>
